<compile_context>
chip_gen: v7x
topology: tpu7x:2x2x1
jax: 0.10.2.dev20260603
libtpu: 0.0.44.dev20260713+nightly
codegen_flags: <defaults>
</compile_context>

<pallas_src>
import jax
import jax.numpy as jnp
from jax import lax
from jax.experimental import pallas as pl
from jax.experimental.pallas import tpu as pltpu
from jax.experimental.pallas import tpu_sc as plsc

ROWS = 16384
COLS = 200
DIM = 128
FLAT = ROWS * COLS

_NC = 2
_NS = 16
_NW = _NC * _NS
_PER_W = FLAT // _NW
_NBUF = 4
_CHUNK = 200
_NCHUNK = _PER_W // _CHUNK


def _sc_body(mask_hbm, emb_hbm, out_hbm, table_s, idx_v, rows_v,
             sem_g, sem_w):
    sid = lax.axis_index("s")
    wid = sid * _NC + lax.axis_index("c")
    base = wid * _PER_W

    @pl.when(sid == 0)
    def _():
        pltpu.sync_copy(emb_hbm, table_s)

    plsc.subcore_barrier()

    for b in range(_NBUF):
        pltpu.sync_copy(mask_hbm.at[pl.ds(base + b * _CHUNK, _CHUNK)],
                        idx_v[b])
        pltpu.async_copy(table_s.at[idx_v[b]], rows_v[b], sem_g[b])

    def turn(t, carry):
        for b in range(_NBUF):
            g = _NBUF * t + b
            off = base + g * _CHUNK
            pltpu.make_async_copy(table_s.at[idx_v[b]], rows_v[b],
                                  sem_g[b]).wait()
            wr = pltpu.async_copy(rows_v[b], out_hbm.at[pl.ds(off, _CHUNK)],
                                  sem_w[b])

            @pl.when(g + _NBUF < _NCHUNK)
            def _():
                pltpu.sync_copy(
                    mask_hbm.at[pl.ds(off + _NBUF * _CHUNK, _CHUNK)],
                    idx_v[b])

            wr.wait()

            @pl.when(g + _NBUF < _NCHUNK)
            def _():
                pltpu.async_copy(table_s.at[idx_v[b]], rows_v[b], sem_g[b])
        return carry

    lax.fori_loop(0, _NCHUNK // _NBUF, turn, 0)


def kernel(mask01, emb):
    mask_flat = mask01.reshape(FLAT)
    mesh = plsc.VectorSubcoreMesh(core_axis_name="c", subcore_axis_name="s")
    k = pl.kernel(
        _sc_body,
        out_type=jax.ShapeDtypeStruct((FLAT, DIM), jnp.float32),
        mesh=mesh,
        scratch_types=[
            pltpu.VMEM_SHARED((2, DIM), jnp.float32),
            [pltpu.VMEM((_CHUNK,), jnp.int32) for _ in range(_NBUF)],
            [pltpu.VMEM((_CHUNK, DIM), jnp.float32) for _ in range(_NBUF)],
            [pltpu.SemaphoreType.DMA for _ in range(_NBUF)],
            [pltpu.SemaphoreType.DMA for _ in range(_NBUF)],
        ],
    )
    out = k(mask_flat, emb)
    return out.reshape(ROWS, COLS, DIM)

# --- scband reference (transcript-rebuilt; emitter-appended) ---
"""Pipeline reference for scband-mask-embedding-34935263985969 (READ-ONLY COPY).

The authoritative reference and input builder live on the scoring server;
editing this copy changes nothing except your own understanding.
"""

import jax, jax.numpy as jnp
import numpy as np


def setup_inputs(seed: int = 0) -> dict:
    key = jax.random.key(seed)
    k1, k2 = jax.random.split(key)
    mask01 = jax.random.randint(k1, (16384, 200), 0, 2, dtype=jnp.int32)
    emb = jax.random.normal(k2, (2, 128), dtype=jnp.float32)
    return {"mask01": mask01, "emb": emb}


def reference(mask01, emb):
    # MaskEmbedding.forward: self.emb(mask01.long())
    idx = mask01.astype(jnp.int32)
    return jnp.take(emb, idx, axis=0)

if __name__ == "__main__":
    import jax
    _d = setup_inputs()
    print(jax.jit(kernel)(*tuple(_d.values())))

</pallas_src>

<mosaic_0001>
#map = affine_map<(d0, d1) -> (0)>
#map1 = affine_map<(d0, d1) -> (0, 0)>
module attributes {stable_mosaic.version = 14 : i64} {
  func.func @_sc_body(%arg0: i32, %arg1: i32, %arg2: memref<3276800xi32, #tpu.memory_space<hbm>>, %arg3: memref<2x128xf32, #tpu.memory_space<hbm>>, %arg4: memref<3276800x128xf32, #tpu.memory_space<hbm>>, %arg5: memref<2x128xf32, #tpu.memory_space<vmem_shared>>, %arg6: memref<200xi32, #tpu.memory_space<vmem>>, %arg7: memref<200xi32, #tpu.memory_space<vmem>>, %arg8: memref<200xi32, #tpu.memory_space<vmem>>, %arg9: memref<200xi32, #tpu.memory_space<vmem>>, %arg10: memref<200x128xf32, #tpu.memory_space<vmem>>, %arg11: memref<200x128xf32, #tpu.memory_space<vmem>>, %arg12: memref<200x128xf32, #tpu.memory_space<vmem>>, %arg13: memref<200x128xf32, #tpu.memory_space<vmem>>, %arg14: memref<!tpu.dma_semaphore, #tpu.memory_space<semaphore_mem>>, %arg15: memref<!tpu.dma_semaphore, #tpu.memory_space<semaphore_mem>>, %arg16: memref<!tpu.dma_semaphore, #tpu.memory_space<semaphore_mem>>, %arg17: memref<!tpu.dma_semaphore, #tpu.memory_space<semaphore_mem>>, %arg18: memref<!tpu.dma_semaphore, #tpu.memory_space<semaphore_mem>>, %arg19: memref<!tpu.dma_semaphore, #tpu.memory_space<semaphore_mem>>, %arg20: memref<!tpu.dma_semaphore, #tpu.memory_space<semaphore_mem>>, %arg21: memref<!tpu.dma_semaphore, #tpu.memory_space<semaphore_mem>>) attributes {dimension_semantics = [#tpu.dimension_semantics<core_parallel>, #tpu.dimension_semantics<subcore_parallel>], iteration_bounds = array<i64: 2, 16>, scalar_prefetch = 0 : i64, scratch_operands = 17 : i64, tpu.core_type = #tpu.core_type<sc_vector_subcore>, window_params = [{transform_indices = #map}, {transform_indices = #map1}, {transform_indices = #map1}]} {
    %mul3A = arith.constant 2 : i32
    %mul3A_0 = arith.muli %arg1, %mul3A : i32
    %add3A = arith.addi %mul3A_0, %arg0 : i32
    %mul3A_1 = arith.constant 102400 : i32
    %mul3A_2 = arith.muli %add3A, %mul3A_1 : i32
    %eq3A = arith.constant 0 : i32
    %eq3A_3 = arith.cmpi eq, %arg1, %eq3A : i32
    %convert_element_type3A = arith.extui %eq3A_3 : i1 to i32
    %cond3A = arith.constant 0 : i32
    %cond3A_4 = arith.cmpi ne, %convert_element_type3A, %cond3A : i32
    scf.if %cond3A_4 {
      "tpu.region"() ({
        %run_scoped3A = tpu.sem_alloc : memref<!tpu.dma_semaphore, #tpu.memory_space<semaphore_mem>>
        tpu.enqueue_dma source(%arg3 : memref<2x128xf32, #tpu.memory_space<hbm>>) target(%arg5 : memref<2x128xf32, #tpu.memory_space<vmem_shared>>) target_semaphore(%run_scoped3A : memref<!tpu.dma_semaphore, #tpu.memory_space<semaphore_mem>>)
        tpu.wait_dma2 semaphore(%run_scoped3A : memref<!tpu.dma_semaphore, #tpu.memory_space<semaphore_mem>>) src(%arg3 : memref<2x128xf32, #tpu.memory_space<hbm>>) dst(%arg5 : memref<2x128xf32, #tpu.memory_space<vmem_shared>>)
        tpu.yield
      }) : () -> ()
    } else {
    }
    %barrier3A = arith.constant 0 : index
    tpu.barrier barrier_id(%barrier3A)
    %add3A_5 = arith.constant 0 : i32
    %add3A_6 = arith.addi %mul3A_2, %add3A_5 : i32
    "tpu.region"() ({
      %run_scoped3A = tpu.sem_alloc : memref<!tpu.dma_semaphore, #tpu.memory_space<semaphore_mem>>
      %dma_start3A_29 = tpu.memref_slice %arg2[%add3A_6] : memref<3276800xi32, #tpu.memory_space<hbm>> -> memref<200xi32, #tpu.memory_space<hbm>>
      %dma_start3A_30 = tpu.memref_slice %arg2[%add3A_6] : memref<3276800xi32, #tpu.memory_space<hbm>> -> memref<200xi32, #tpu.memory_space<hbm>>
      tpu.enqueue_dma source(%dma_start3A_30 : memref<200xi32, #tpu.memory_space<hbm>>) target(%arg6 : memref<200xi32, #tpu.memory_space<vmem>>) target_semaphore(%run_scoped3A : memref<!tpu.dma_semaphore, #tpu.memory_space<semaphore_mem>>)
      %dma_wait3A = tpu.memref_slice %arg2[%add3A_6] : memref<3276800xi32, #tpu.memory_space<hbm>> -> memref<200xi32, #tpu.memory_space<hbm>>
      %dma_wait3A_31 = tpu.memref_slice %arg2[%add3A_6] : memref<3276800xi32, #tpu.memory_space<hbm>> -> memref<200xi32, #tpu.memory_space<hbm>>
      tpu.wait_dma2 semaphore(%run_scoped3A : memref<!tpu.dma_semaphore, #tpu.memory_space<semaphore_mem>>) src(%dma_wait3A_31 : memref<200xi32, #tpu.memory_space<hbm>>) dst(%arg6 : memref<200xi32, #tpu.memory_space<vmem>>)
      tpu.yield
    }) : () -> ()
    %dma_start3A = arith.constant 0 : i32
    %dma_start3A_7 = arith.constant 0 : i32
    %dma_start3A_8 = tpu.memref_slice %arg5[%dma_start3A, %dma_start3A_7] : memref<2x128xf32, #tpu.memory_space<vmem_shared>> -> memref<2x128xf32, #tpu.memory_space<vmem_shared>>
    tpu.enqueue_indirect_dma source(%dma_start3A_8 : memref<2x128xf32, #tpu.memory_space<vmem_shared>>) target(%arg10 : memref<200x128xf32, #tpu.memory_space<vmem>>) offsets(%arg6 : memref<200xi32, #tpu.memory_space<vmem>>) semaphore(%arg14 : memref<!tpu.dma_semaphore, #tpu.memory_space<semaphore_mem>>)
    %add3A_9 = arith.constant 200 : i32
    %add3A_10 = arith.addi %mul3A_2, %add3A_9 : i32
    "tpu.region"() ({
      %run_scoped3A = tpu.sem_alloc : memref<!tpu.dma_semaphore, #tpu.memory_space<semaphore_mem>>
      %dma_start3A_29 = tpu.memref_slice %arg2[%add3A_10] : memref<3276800xi32, #tpu.memory_space<hbm>> -> memref<200xi32, #tpu.memory_space<hbm>>
      %dma_start3A_30 = tpu.memref_slice %arg2[%add3A_10] : memref<3276800xi32, #tpu.memory_space<hbm>> -> memref<200xi32, #tpu.memory_space<hbm>>
      tpu.enqueue_dma source(%dma_start3A_30 : memref<200xi32, #tpu.memory_space<hbm>>) target(%arg7 : memref<200xi32, #tpu.memory_space<vmem>>) target_semaphore(%run_scoped3A : memref<!tpu.dma_semaphore, #tpu.memory_space<semaphore_mem>>)
      %dma_wait3A = tpu.memref_slice %arg2[%add3A_10] : memref<3276800xi32, #tpu.memory_space<hbm>> -> memref<200xi32, #tpu.memory_space<hbm>>
      %dma_wait3A_31 = tpu.memref_slice %arg2[%add3A_10] : memref<3276800xi32, #tpu.memory_space<hbm>> -> memref<200xi32, #tpu.memory_space<hbm>>
      tpu.wait_dma2 semaphore(%run_scoped3A : memref<!tpu.dma_semaphore, #tpu.memory_space<semaphore_mem>>) src(%dma_wait3A_31 : memref<200xi32, #tpu.memory_space<hbm>>) dst(%arg7 : memref<200xi32, #tpu.memory_space<vmem>>)
      tpu.yield
    }) : () -> ()
    %dma_start3A_11 = arith.constant 0 : i32
    %dma_start3A_12 = arith.constant 0 : i32
    %dma_start3A_13 = tpu.memref_slice %arg5[%dma_start3A_11, %dma_start3A_12] : memref<2x128xf32, #tpu.memory_space<vmem_shared>> -> memref<2x128xf32, #tpu.memory_space<vmem_shared>>
    tpu.enqueue_indirect_dma source(%dma_start3A_13 : memref<2x128xf32, #tpu.memory_space<vmem_shared>>) target(%arg11 : memref<200x128xf32, #tpu.memory_space<vmem>>) offsets(%arg7 : memref<200xi32, #tpu.memory_space<vmem>>) semaphore(%arg15 : memref<!tpu.dma_semaphore, #tpu.memory_space<semaphore_mem>>)
    %add3A_14 = arith.constant 400 : i32
    %add3A_15 = arith.addi %mul3A_2, %add3A_14 : i32
    "tpu.region"() ({
      %run_scoped3A = tpu.sem_alloc : memref<!tpu.dma_semaphore, #tpu.memory_space<semaphore_mem>>
      %dma_start3A_29 = tpu.memref_slice %arg2[%add3A_15] : memref<3276800xi32, #tpu.memory_space<hbm>> -> memref<200xi32, #tpu.memory_space<hbm>>
      %dma_start3A_30 = tpu.memref_slice %arg2[%add3A_15] : memref<3276800xi32, #tpu.memory_space<hbm>> -> memref<200xi32, #tpu.memory_space<hbm>>
      tpu.enqueue_dma source(%dma_start3A_30 : memref<200xi32, #tpu.memory_space<hbm>>) target(%arg8 : memref<200xi32, #tpu.memory_space<vmem>>) target_semaphore(%run_scoped3A : memref<!tpu.dma_semaphore, #tpu.memory_space<semaphore_mem>>)
      %dma_wait3A = tpu.memref_slice %arg2[%add3A_15] : memref<3276800xi32, #tpu.memory_space<hbm>> -> memref<200xi32, #tpu.memory_space<hbm>>
      %dma_wait3A_31 = tpu.memref_slice %arg2[%add3A_15] : memref<3276800xi32, #tpu.memory_space<hbm>> -> memref<200xi32, #tpu.memory_space<hbm>>
      tpu.wait_dma2 semaphore(%run_scoped3A : memref<!tpu.dma_semaphore, #tpu.memory_space<semaphore_mem>>) src(%dma_wait3A_31 : memref<200xi32, #tpu.memory_space<hbm>>) dst(%arg8 : memref<200xi32, #tpu.memory_space<vmem>>)
      tpu.yield
    }) : () -> ()
    %dma_start3A_16 = arith.constant 0 : i32
    %dma_start3A_17 = arith.constant 0 : i32
    %dma_start3A_18 = tpu.memref_slice %arg5[%dma_start3A_16, %dma_start3A_17] : memref<2x128xf32, #tpu.memory_space<vmem_shared>> -> memref<2x128xf32, #tpu.memory_space<vmem_shared>>
    tpu.enqueue_indirect_dma source(%dma_start3A_18 : memref<2x128xf32, #tpu.memory_space<vmem_shared>>) target(%arg12 : memref<200x128xf32, #tpu.memory_space<vmem>>) offsets(%arg8 : memref<200xi32, #tpu.memory_space<vmem>>) semaphore(%arg16 : memref<!tpu.dma_semaphore, #tpu.memory_space<semaphore_mem>>)
    %add3A_19 = arith.constant 600 : i32
    %add3A_20 = arith.addi %mul3A_2, %add3A_19 : i32
    "tpu.region"() ({
      %run_scoped3A = tpu.sem_alloc : memref<!tpu.dma_semaphore, #tpu.memory_space<semaphore_mem>>
      %dma_start3A_29 = tpu.memref_slice %arg2[%add3A_20] : memref<3276800xi32, #tpu.memory_space<hbm>> -> memref<200xi32, #tpu.memory_space<hbm>>
      %dma_start3A_30 = tpu.memref_slice %arg2[%add3A_20] : memref<3276800xi32, #tpu.memory_space<hbm>> -> memref<200xi32, #tpu.memory_space<hbm>>
      tpu.enqueue_dma source(%dma_start3A_30 : memref<200xi32, #tpu.memory_space<hbm>>) target(%arg9 : memref<200xi32, #tpu.memory_space<vmem>>) target_semaphore(%run_scoped3A : memref<!tpu.dma_semaphore, #tpu.memory_space<semaphore_mem>>)
      %dma_wait3A = tpu.memref_slice %arg2[%add3A_20] : memref<3276800xi32, #tpu.memory_space<hbm>> -> memref<200xi32, #tpu.memory_space<hbm>>
      %dma_wait3A_31 = tpu.memref_slice %arg2[%add3A_20] : memref<3276800xi32, #tpu.memory_space<hbm>> -> memref<200xi32, #tpu.memory_space<hbm>>
      tpu.wait_dma2 semaphore(%run_scoped3A : memref<!tpu.dma_semaphore, #tpu.memory_space<semaphore_mem>>) src(%dma_wait3A_31 : memref<200xi32, #tpu.memory_space<hbm>>) dst(%arg9 : memref<200xi32, #tpu.memory_space<vmem>>)
      tpu.yield
    }) : () -> ()
    %dma_start3A_21 = arith.constant 0 : i32
    %dma_start3A_22 = arith.constant 0 : i32
    %dma_start3A_23 = tpu.memref_slice %arg5[%dma_start3A_21, %dma_start3A_22] : memref<2x128xf32, #tpu.memory_space<vmem_shared>> -> memref<2x128xf32, #tpu.memory_space<vmem_shared>>
    tpu.enqueue_indirect_dma source(%dma_start3A_23 : memref<2x128xf32, #tpu.memory_space<vmem_shared>>) target(%arg13 : memref<200x128xf32, #tpu.memory_space<vmem>>) offsets(%arg9 : memref<200xi32, #tpu.memory_space<vmem>>) semaphore(%arg17 : memref<!tpu.dma_semaphore, #tpu.memory_space<semaphore_mem>>)
    %scan3A = arith.constant 0 : i32
    %scan3A_24 = arith.constant 0 : i32
    %scan3A_25 = arith.constant 128 : i32
    %scan3A_26 = arith.addi %scan3A_24, %scan3A_25 : i32
    %scan3A_27 = arith.constant 1 : i32
    scf.for %scan3A_29 = %scan3A_24 to %scan3A_26 step %scan3A_27  : i32 {
      %mul3A_30 = arith.constant 4 : i32
      %mul3A_31 = arith.muli %mul3A_30, %scan3A_29 : i32
      %add3A_32 = arith.constant 0 : i32
      %add3A_33 = arith.addi %mul3A_31, %add3A_32 : i32
      %mul3A_34 = arith.constant 200 : i32
      %mul3A_35 = arith.muli %add3A_33, %mul3A_34 : i32
      %add3A_36 = arith.addi %mul3A_2, %mul3A_35 : i32
      %dma_wait3A = arith.constant 0 : i32
      %dma_wait3A_37 = arith.constant 0 : i32
      %dma_wait3A_38 = tpu.memref_slice %arg5[%dma_wait3A, %dma_wait3A_37] : memref<2x128xf32, #tpu.memory_space<vmem_shared>> -> memref<2x128xf32, #tpu.memory_space<vmem_shared>>
      tpu.wait_indirect_dma semaphore(%arg14 : memref<!tpu.dma_semaphore, #tpu.memory_space<semaphore_mem>>) src(%dma_wait3A_38 : memref<2x128xf32, #tpu.memory_space<vmem_shared>>) dst(%arg10 : memref<200x128xf32, #tpu.memory_space<vmem>>)
      %dma_start3A_39 = arith.constant 0 : i32
      %dma_start3A_40 = tpu.memref_slice %arg4[%add3A_36, %dma_start3A_39] : memref<3276800x128xf32, #tpu.memory_space<hbm>> -> memref<200x128xf32, #tpu.memory_space<hbm>>
      %dma_start3A_41 = arith.constant 0 : i32
      %dma_start3A_42 = tpu.memref_slice %arg4[%add3A_36, %dma_start3A_41] : memref<3276800x128xf32, #tpu.memory_space<hbm>> -> memref<200x128xf32, #tpu.memory_space<hbm>>
      tpu.enqueue_dma source(%arg10 : memref<200x128xf32, #tpu.memory_space<vmem>>) target(%dma_start3A_42 : memref<200x128xf32, #tpu.memory_space<hbm>>) target_semaphore(%arg18 : memref<!tpu.dma_semaphore, #tpu.memory_space<semaphore_mem>>)
      %add3A_43 = arith.constant 4 : i32
      %add3A_44 = arith.addi %add3A_33, %add3A_43 : i32
      %lt3A = arith.constant 512 : i32
      %lt3A_45 = arith.cmpi slt, %add3A_44, %lt3A : i32
      %convert_element_type3A_46 = arith.extui %lt3A_45 : i1 to i32
      %cond3A_47 = arith.constant 0 : i32
      %cond3A_48 = arith.cmpi ne, %convert_element_type3A_46, %cond3A_47 : i32
      scf.if %cond3A_48 {
        %add3A_156 = arith.constant 800 : i32
        %add3A_157 = arith.addi %add3A_36, %add3A_156 : i32
        "tpu.region"() ({
          %run_scoped3A = tpu.sem_alloc : memref<!tpu.dma_semaphore, #tpu.memory_space<semaphore_mem>>
          %dma_start3A_158 = tpu.memref_slice %arg2[%add3A_157] : memref<3276800xi32, #tpu.memory_space<hbm>> -> memref<200xi32, #tpu.memory_space<hbm>>
          %dma_start3A_159 = tpu.memref_slice %arg2[%add3A_157] : memref<3276800xi32, #tpu.memory_space<hbm>> -> memref<200xi32, #tpu.memory_space<hbm>>
          tpu.enqueue_dma source(%dma_start3A_159 : memref<200xi32, #tpu.memory_space<hbm>>) target(%arg6 : memref<200xi32, #tpu.memory_space<vmem>>) target_semaphore(%run_scoped3A : memref<!tpu.dma_semaphore, #tpu.memory_space<semaphore_mem>>)
          %dma_wait3A_160 = tpu.memref_slice %arg2[%add3A_157] : memref<3276800xi32, #tpu.memory_space<hbm>> -> memref<200xi32, #tpu.memory_space<hbm>>
          %dma_wait3A_161 = tpu.memref_slice %arg2[%add3A_157] : memref<3276800xi32, #tpu.memory_space<hbm>> -> memref<200xi32, #tpu.memory_space<hbm>>
          tpu.wait_dma2 semaphore(%run_scoped3A : memref<!tpu.dma_semaphore, #tpu.memory_space<semaphore_mem>>) src(%dma_wait3A_161 : memref<200xi32, #tpu.memory_space<hbm>>) dst(%arg6 : memref<200xi32, #tpu.memory_space<vmem>>)
          tpu.yield
        }) : () -> ()
      } else {
      }
      %dma_wait3A_49 = arith.constant 0 : i32
      %dma_wait3A_50 = tpu.memref_slice %arg4[%add3A_36, %dma_wait3A_49] : memref<3276800x128xf32, #tpu.memory_space<hbm>> -> memref<200x128xf32, #tpu.memory_space<hbm>>
      %dma_wait3A_51 = arith.constant 0 : i32
      %dma_wait3A_52 = tpu.memref_slice %arg4[%add3A_36, %dma_wait3A_51] : memref<3276800x128xf32, #tpu.memory_space<hbm>> -> memref<200x128xf32, #tpu.memory_space<hbm>>
      tpu.wait_dma2 semaphore(%arg18 : memref<!tpu.dma_semaphore, #tpu.memory_space<semaphore_mem>>) src(%arg10 : memref<200x128xf32, #tpu.memory_space<vmem>>) dst(%dma_wait3A_52 : memref<200x128xf32, #tpu.memory_space<hbm>>)
      %add3A_53 = arith.constant 4 : i32
      %add3A_54 = arith.addi %add3A_33, %add3A_53 : i32
      %lt3A_55 = arith.constant 512 : i32
      %lt3A_56 = arith.cmpi slt, %add3A_54, %lt3A_55 : i32
      %convert_element_type3A_57 = arith.extui %lt3A_56 : i1 to i32
      %cond3A_58 = arith.constant 0 : i32
      %cond3A_59 = arith.cmpi ne, %convert_element_type3A_57, %cond3A_58 : i32
      scf.if %cond3A_59 {
        %dma_start3A_156 = arith.constant 0 : i32
        %dma_start3A_157 = arith.constant 0 : i32
        %dma_start3A_158 = tpu.memref_slice %arg5[%dma_start3A_156, %dma_start3A_157] : memref<2x128xf32, #tpu.memory_space<vmem_shared>> -> memref<2x128xf32, #tpu.memory_space<vmem_shared>>
        tpu.enqueue_indirect_dma source(%dma_start3A_158 : memref<2x128xf32, #tpu.memory_space<vmem_shared>>) target(%arg10 : memref<200x128xf32, #tpu.memory_space<vmem>>) offsets(%arg6 : memref<200xi32, #tpu.memory_space<vmem>>) semaphore(%arg14 : memref<!tpu.dma_semaphore, #tpu.memory_space<semaphore_mem>>)
      } else {
      }
      %mul3A_60 = arith.constant 4 : i32
      %mul3A_61 = arith.muli %mul3A_60, %scan3A_29 : i32
      %add3A_62 = arith.constant 1 : i32
      %add3A_63 = arith.addi %mul3A_61, %add3A_62 : i32
      %mul3A_64 = arith.constant 200 : i32
      %mul3A_65 = arith.muli %add3A_63, %mul3A_64 : i32
      %add3A_66 = arith.addi %mul3A_2, %mul3A_65 : i32
      %dma_wait3A_67 = arith.constant 0 : i32
      %dma_wait3A_68 = arith.constant 0 : i32
      %dma_wait3A_69 = tpu.memref_slice %arg5[%dma_wait3A_67, %dma_wait3A_68] : memref<2x128xf32, #tpu.memory_space<vmem_shared>> -> memref<2x128xf32, #tpu.memory_space<vmem_shared>>
      tpu.wait_indirect_dma semaphore(%arg15 : memref<!tpu.dma_semaphore, #tpu.memory_space<semaphore_mem>>) src(%dma_wait3A_69 : memref<2x128xf32, #tpu.memory_space<vmem_shared>>) dst(%arg11 : memref<200x128xf32, #tpu.memory_space<vmem>>)
      %dma_start3A_70 = arith.constant 0 : i32
      %dma_start3A_71 = tpu.memref_slice %arg4[%add3A_66, %dma_start3A_70] : memref<3276800x128xf32, #tpu.memory_space<hbm>> -> memref<200x128xf32, #tpu.memory_space<hbm>>
      %dma_start3A_72 = arith.constant 0 : i32
      %dma_start3A_73 = tpu.memref_slice %arg4[%add3A_66, %dma_start3A_72] : memref<3276800x128xf32, #tpu.memory_space<hbm>> -> memref<200x128xf32, #tpu.memory_space<hbm>>
      tpu.enqueue_dma source(%arg11 : memref<200x128xf32, #tpu.memory_space<vmem>>) target(%dma_start3A_73 : memref<200x128xf32, #tpu.memory_space<hbm>>) target_semaphore(%arg19 : memref<!tpu.dma_semaphore, #tpu.memory_space<semaphore_mem>>)
      %add3A_74 = arith.constant 4 : i32
      %add3A_75 = arith.addi %add3A_63, %add3A_74 : i32
      %lt3A_76 = arith.constant 512 : i32
      %lt3A_77 = arith.cmpi slt, %add3A_75, %lt3A_76 : i32
      %convert_element_type3A_78 = arith.extui %lt3A_77 : i1 to i32
      %cond3A_79 = arith.constant 0 : i32
      %cond3A_80 = arith.cmpi ne, %convert_element_type3A_78, %cond3A_79 : i32
      scf.if %cond3A_80 {
        %add3A_156 = arith.constant 800 : i32
        %add3A_157 = arith.addi %add3A_66, %add3A_156 : i32
        "tpu.region"() ({
          %run_scoped3A = tpu.sem_alloc : memref<!tpu.dma_semaphore, #tpu.memory_space<semaphore_mem>>
          %dma_start3A_158 = tpu.memref_slice %arg2[%add3A_157] : memref<3276800xi32, #tpu.memory_space<hbm>> -> memref<200xi32, #tpu.memory_space<hbm>>
          %dma_start3A_159 = tpu.memref_slice %arg2[%add3A_157] : memref<3276800xi32, #tpu.memory_space<hbm>> -> memref<200xi32, #tpu.memory_space<hbm>>
          tpu.enqueue_dma source(%dma_start3A_159 : memref<200xi32, #tpu.memory_space<hbm>>) target(%arg7 : memref<200xi32, #tpu.memory_space<vmem>>) target_semaphore(%run_scoped3A : memref<!tpu.dma_semaphore, #tpu.memory_space<semaphore_mem>>)
          %dma_wait3A_160 = tpu.memref_slice %arg2[%add3A_157] : memref<3276800xi32, #tpu.memory_space<hbm>> -> memref<200xi32, #tpu.memory_space<hbm>>
          %dma_wait3A_161 = tpu.memref_slice %arg2[%add3A_157] : memref<3276800xi32, #tpu.memory_space<hbm>> -> memref<200xi32, #tpu.memory_space<hbm>>
          tpu.wait_dma2 semaphore(%run_scoped3A : memref<!tpu.dma_semaphore, #tpu.memory_space<semaphore_mem>>) src(%dma_wait3A_161 : memref<200xi32, #tpu.memory_space<hbm>>) dst(%arg7 : memref<200xi32, #tpu.memory_space<vmem>>)
          tpu.yield
        }) : () -> ()
      } else {
      }
      %dma_wait3A_81 = arith.constant 0 : i32
      %dma_wait3A_82 = tpu.memref_slice %arg4[%add3A_66, %dma_wait3A_81] : memref<3276800x128xf32, #tpu.memory_space<hbm>> -> memref<200x128xf32, #tpu.memory_space<hbm>>
      %dma_wait3A_83 = arith.constant 0 : i32
      %dma_wait3A_84 = tpu.memref_slice %arg4[%add3A_66, %dma_wait3A_83] : memref<3276800x128xf32, #tpu.memory_space<hbm>> -> memref<200x128xf32, #tpu.memory_space<hbm>>
      tpu.wait_dma2 semaphore(%arg19 : memref<!tpu.dma_semaphore, #tpu.memory_space<semaphore_mem>>) src(%arg11 : memref<200x128xf32, #tpu.memory_space<vmem>>) dst(%dma_wait3A_84 : memref<200x128xf32, #tpu.memory_space<hbm>>)
      %add3A_85 = arith.constant 4 : i32
      %add3A_86 = arith.addi %add3A_63, %add3A_85 : i32
      %lt3A_87 = arith.constant 512 : i32
      %lt3A_88 = arith.cmpi slt, %add3A_86, %lt3A_87 : i32
      %convert_element_type3A_89 = arith.extui %lt3A_88 : i1 to i32
      %cond3A_90 = arith.constant 0 : i32
      %cond3A_91 = arith.cmpi ne, %convert_element_type3A_89, %cond3A_90 : i32
      scf.if %cond3A_91 {
        %dma_start3A_156 = arith.constant 0 : i32
        %dma_start3A_157 = arith.constant 0 : i32
        %dma_start3A_158 = tpu.memref_slice %arg5[%dma_start3A_156, %dma_start3A_157] : memref<2x128xf32, #tpu.memory_space<vmem_shared>> -> memref<2x128xf32, #tpu.memory_space<vmem_shared>>
        tpu.enqueue_indirect_dma source(%dma_start3A_158 : memref<2x128xf32, #tpu.memory_space<vmem_shared>>) target(%arg11 : memref<200x128xf32, #tpu.memory_space<vmem>>) offsets(%arg7 : memref<200xi32, #tpu.memory_space<vmem>>) semaphore(%arg15 : memref<!tpu.dma_semaphore, #tpu.memory_space<semaphore_mem>>)
      } else {
      }
      %mul3A_92 = arith.constant 4 : i32
      %mul3A_93 = arith.muli %mul3A_92, %scan3A_29 : i32
      %add3A_94 = arith.constant 2 : i32
      %add3A_95 = arith.addi %mul3A_93, %add3A_94 : i32
      %mul3A_96 = arith.constant 200 : i32
      %mul3A_97 = arith.muli %add3A_95, %mul3A_96 : i32
      %add3A_98 = arith.addi %mul3A_2, %mul3A_97 : i32
      %dma_wait3A_99 = arith.constant 0 : i32
      %dma_wait3A_100 = arith.constant 0 : i32
      %dma_wait3A_101 = tpu.memref_slice %arg5[%dma_wait3A_99, %dma_wait3A_100] : memref<2x128xf32, #tpu.memory_space<vmem_shared>> -> memref<2x128xf32, #tpu.memory_space<vmem_shared>>
      tpu.wait_indirect_dma semaphore(%arg16 : memref<!tpu.dma_semaphore, #tpu.memory_space<semaphore_mem>>) src(%dma_wait3A_101 : memref<2x128xf32, #tpu.memory_space<vmem_shared>>) dst(%arg12 : memref<200x128xf32, #tpu.memory_space<vmem>>)
      %dma_start3A_102 = arith.constant 0 : i32
      %dma_start3A_103 = tpu.memref_slice %arg4[%add3A_98, %dma_start3A_102] : memref<3276800x128xf32, #tpu.memory_space<hbm>> -> memref<200x128xf32, #tpu.memory_space<hbm>>
      %dma_start3A_104 = arith.constant 0 : i32
      %dma_start3A_105 = tpu.memref_slice %arg4[%add3A_98, %dma_start3A_104] : memref<3276800x128xf32, #tpu.memory_space<hbm>> -> memref<200x128xf32, #tpu.memory_space<hbm>>
      tpu.enqueue_dma source(%arg12 : memref<200x128xf32, #tpu.memory_space<vmem>>) target(%dma_start3A_105 : memref<200x128xf32, #tpu.memory_space<hbm>>) target_semaphore(%arg20 : memref<!tpu.dma_semaphore, #tpu.memory_space<semaphore_mem>>)
      %add3A_106 = arith.constant 4 : i32
      %add3A_107 = arith.addi %add3A_95, %add3A_106 : i32
      %lt3A_108 = arith.constant 512 : i32
      %lt3A_109 = arith.cmpi slt, %add3A_107, %lt3A_108 : i32
      %convert_element_type3A_110 = arith.extui %lt3A_109 : i1 to i32
      %cond3A_111 = arith.constant 0 : i32
      %cond3A_112 = arith.cmpi ne, %convert_element_type3A_110, %cond3A_111 : i32
      scf.if %cond3A_112 {
        %add3A_156 = arith.constant 800 : i32
        %add3A_157 = arith.addi %add3A_98, %add3A_156 : i32
        "tpu.region"() ({
          %run_scoped3A = tpu.sem_alloc : memref<!tpu.dma_semaphore, #tpu.memory_space<semaphore_mem>>
          %dma_start3A_158 = tpu.memref_slice %arg2[%add3A_157] : memref<3276800xi32, #tpu.memory_space<hbm>> -> memref<200xi32, #tpu.memory_space<hbm>>
          %dma_start3A_159 = tpu.memref_slice %arg2[%add3A_157] : memref<3276800xi32, #tpu.memory_space<hbm>> -> memref<200xi32, #tpu.memory_space<hbm>>
          tpu.enqueue_dma source(%dma_start3A_159 : memref<200xi32, #tpu.memory_space<hbm>>) target(%arg8 : memref<200xi32, #tpu.memory_space<vmem>>) target_semaphore(%run_scoped3A : memref<!tpu.dma_semaphore, #tpu.memory_space<semaphore_mem>>)
          %dma_wait3A_160 = tpu.memref_slice %arg2[%add3A_157] : memref<3276800xi32, #tpu.memory_space<hbm>> -> memref<200xi32, #tpu.memory_space<hbm>>
          %dma_wait3A_161 = tpu.memref_slice %arg2[%add3A_157] : memref<3276800xi32, #tpu.memory_space<hbm>> -> memref<200xi32, #tpu.memory_space<hbm>>
          tpu.wait_dma2 semaphore(%run_scoped3A : memref<!tpu.dma_semaphore, #tpu.memory_space<semaphore_mem>>) src(%dma_wait3A_161 : memref<200xi32, #tpu.memory_space<hbm>>) dst(%arg8 : memref<200xi32, #tpu.memory_space<vmem>>)
          tpu.yield
        }) : () -> ()
      } else {
      }
      %dma_wait3A_113 = arith.constant 0 : i32
      %dma_wait3A_114 = tpu.memref_slice %arg4[%add3A_98, %dma_wait3A_113] : memref<3276800x128xf32, #tpu.memory_space<hbm>> -> memref<200x128xf32, #tpu.memory_space<hbm>>
      %dma_wait3A_115 = arith.constant 0 : i32
      %dma_wait3A_116 = tpu.memref_slice %arg4[%add3A_98, %dma_wait3A_115] : memref<3276800x128xf32, #tpu.memory_space<hbm>> -> memref<200x128xf32, #tpu.memory_space<hbm>>
      tpu.wait_dma2 semaphore(%arg20 : memref<!tpu.dma_semaphore, #tpu.memory_space<semaphore_mem>>) src(%arg12 : memref<200x128xf32, #tpu.memory_space<vmem>>) dst(%dma_wait3A_116 : memref<200x128xf32, #tpu.memory_space<hbm>>)
      %add3A_117 = arith.constant 4 : i32
      %add3A_118 = arith.addi %add3A_95, %add3A_117 : i32
      %lt3A_119 = arith.constant 512 : i32
      %lt3A_120 = arith.cmpi slt, %add3A_118, %lt3A_119 : i32
      %convert_element_type3A_121 = arith.extui %lt3A_120 : i1 to i32
      %cond3A_122 = arith.constant 0 : i32
      %cond3A_123 = arith.cmpi ne, %convert_element_type3A_121, %cond3A_122 : i32
      scf.if %cond3A_123 {
        %dma_start3A_156 = arith.constant 0 : i32
        %dma_start3A_157 = arith.constant 0 : i32
        %dma_start3A_158 = tpu.memref_slice %arg5[%dma_start3A_156, %dma_start3A_157] : memref<2x128xf32, #tpu.memory_space<vmem_shared>> -> memref<2x128xf32, #tpu.memory_space<vmem_shared>>
        tpu.enqueue_indirect_dma source(%dma_start3A_158 : memref<2x128xf32, #tpu.memory_space<vmem_shared>>) target(%arg12 : memref<200x128xf32, #tpu.memory_space<vmem>>) offsets(%arg8 : memref<200xi32, #tpu.memory_space<vmem>>) semaphore(%arg16 : memref<!tpu.dma_semaphore, #tpu.memory_space<semaphore_mem>>)
      } else {
      }
      %mul3A_124 = arith.constant 4 : i32
      %mul3A_125 = arith.muli %mul3A_124, %scan3A_29 : i32
      %add3A_126 = arith.constant 3 : i32
      %add3A_127 = arith.addi %mul3A_125, %add3A_126 : i32
      %mul3A_128 = arith.constant 200 : i32
      %mul3A_129 = arith.muli %add3A_127, %mul3A_128 : i32
      %add3A_130 = arith.addi %mul3A_2, %mul3A_129 : i32
      %dma_wait3A_131 = arith.constant 0 : i32
      %dma_wait3A_132 = arith.constant 0 : i32
      %dma_wait3A_133 = tpu.memref_slice %arg5[%dma_wait3A_131, %dma_wait3A_132] : memref<2x128xf32, #tpu.memory_space<vmem_shared>> -> memref<2x128xf32, #tpu.memory_space<vmem_shared>>
      tpu.wait_indirect_dma semaphore(%arg17 : memref<!tpu.dma_semaphore, #tpu.memory_space<semaphore_mem>>) src(%dma_wait3A_133 : memref<2x128xf32, #tpu.memory_space<vmem_shared>>) dst(%arg13 : memref<200x128xf32, #tpu.memory_space<vmem>>)
      %dma_start3A_134 = arith.constant 0 : i32
      %dma_start3A_135 = tpu.memref_slice %arg4[%add3A_130, %dma_start3A_134] : memref<3276800x128xf32, #tpu.memory_space<hbm>> -> memref<200x128xf32, #tpu.memory_space<hbm>>
      %dma_start3A_136 = arith.constant 0 : i32
      %dma_start3A_137 = tpu.memref_slice %arg4[%add3A_130, %dma_start3A_136] : memref<3276800x128xf32, #tpu.memory_space<hbm>> -> memref<200x128xf32, #tpu.memory_space<hbm>>
      tpu.enqueue_dma source(%arg13 : memref<200x128xf32, #tpu.memory_space<vmem>>) target(%dma_start3A_137 : memref<200x128xf32, #tpu.memory_space<hbm>>) target_semaphore(%arg21 : memref<!tpu.dma_semaphore, #tpu.memory_space<semaphore_mem>>)
      %add3A_138 = arith.constant 4 : i32
      %add3A_139 = arith.addi %add3A_127, %add3A_138 : i32
      %lt3A_140 = arith.constant 512 : i32
      %lt3A_141 = arith.cmpi slt, %add3A_139, %lt3A_140 : i32
      %convert_element_type3A_142 = arith.extui %lt3A_141 : i1 to i32
      %cond3A_143 = arith.constant 0 : i32
      %cond3A_144 = arith.cmpi ne, %convert_element_type3A_142, %cond3A_143 : i32
      scf.if %cond3A_144 {
        %add3A_156 = arith.constant 800 : i32
        %add3A_157 = arith.addi %add3A_130, %add3A_156 : i32
        "tpu.region"() ({
          %run_scoped3A = tpu.sem_alloc : memref<!tpu.dma_semaphore, #tpu.memory_space<semaphore_mem>>
          %dma_start3A_158 = tpu.memref_slice %arg2[%add3A_157] : memref<3276800xi32, #tpu.memory_space<hbm>> -> memref<200xi32, #tpu.memory_space<hbm>>
          %dma_start3A_159 = tpu.memref_slice %arg2[%add3A_157] : memref<3276800xi32, #tpu.memory_space<hbm>> -> memref<200xi32, #tpu.memory_space<hbm>>
          tpu.enqueue_dma source(%dma_start3A_159 : memref<200xi32, #tpu.memory_space<hbm>>) target(%arg9 : memref<200xi32, #tpu.memory_space<vmem>>) target_semaphore(%run_scoped3A : memref<!tpu.dma_semaphore, #tpu.memory_space<semaphore_mem>>)
          %dma_wait3A_160 = tpu.memref_slice %arg2[%add3A_157] : memref<3276800xi32, #tpu.memory_space<hbm>> -> memref<200xi32, #tpu.memory_space<hbm>>
          %dma_wait3A_161 = tpu.memref_slice %arg2[%add3A_157] : memref<3276800xi32, #tpu.memory_space<hbm>> -> memref<200xi32, #tpu.memory_space<hbm>>
          tpu.wait_dma2 semaphore(%run_scoped3A : memref<!tpu.dma_semaphore, #tpu.memory_space<semaphore_mem>>) src(%dma_wait3A_161 : memref<200xi32, #tpu.memory_space<hbm>>) dst(%arg9 : memref<200xi32, #tpu.memory_space<vmem>>)
          tpu.yield
        }) : () -> ()
      } else {
      }
      %dma_wait3A_145 = arith.constant 0 : i32
      %dma_wait3A_146 = tpu.memref_slice %arg4[%add3A_130, %dma_wait3A_145] : memref<3276800x128xf32, #tpu.memory_space<hbm>> -> memref<200x128xf32, #tpu.memory_space<hbm>>
      %dma_wait3A_147 = arith.constant 0 : i32
      %dma_wait3A_148 = tpu.memref_slice %arg4[%add3A_130, %dma_wait3A_147] : memref<3276800x128xf32, #tpu.memory_space<hbm>> -> memref<200x128xf32, #tpu.memory_space<hbm>>
      tpu.wait_dma2 semaphore(%arg21 : memref<!tpu.dma_semaphore, #tpu.memory_space<semaphore_mem>>) src(%arg13 : memref<200x128xf32, #tpu.memory_space<vmem>>) dst(%dma_wait3A_148 : memref<200x128xf32, #tpu.memory_space<hbm>>)
      %add3A_149 = arith.constant 4 : i32
      %add3A_150 = arith.addi %add3A_127, %add3A_149 : i32
      %lt3A_151 = arith.constant 512 : i32
      %lt3A_152 = arith.cmpi slt, %add3A_150, %lt3A_151 : i32
      %convert_element_type3A_153 = arith.extui %lt3A_152 : i1 to i32
      %cond3A_154 = arith.constant 0 : i32
      %cond3A_155 = arith.cmpi ne, %convert_element_type3A_153, %cond3A_154 : i32
      scf.if %cond3A_155 {
        %dma_start3A_156 = arith.constant 0 : i32
        %dma_start3A_157 = arith.constant 0 : i32
        %dma_start3A_158 = tpu.memref_slice %arg5[%dma_start3A_156, %dma_start3A_157] : memref<2x128xf32, #tpu.memory_space<vmem_shared>> -> memref<2x128xf32, #tpu.memory_space<vmem_shared>>
        tpu.enqueue_indirect_dma source(%dma_start3A_158 : memref<2x128xf32, #tpu.memory_space<vmem_shared>>) target(%arg13 : memref<200x128xf32, #tpu.memory_space<vmem>>) offsets(%arg9 : memref<200xi32, #tpu.memory_space<vmem>>) semaphore(%arg17 : memref<!tpu.dma_semaphore, #tpu.memory_space<semaphore_mem>>)
      } else {
      }
    }
    %scan3A_28 = arith.constant 128 : i32
    return
  }
}

</mosaic_0001>

<sc_bundles>
// kernel: kernel.3.cloned.1.call-start
scs
__scs_entry_jumppad:
0x0: {  	(pc) =	sbr.rel $0x88, $3  }
0x1: {  	(tag) =	ssettag $0x0;
	lr =	simm.s32 $0x1  }
0x2: {  	[smem:$0x3F9F] =	sst lr;
	_ =	strace $0xD0000000  }
0x3: {  	_ = 	snop  }
0x4: {  	_ = 	snop  }
0x5: {  	_ = 	snop  }
0x6: {  	_ = 	snop  }
0x7: {  	_ = 	snop  }
__scs_overlays_trampoline_lowered:
0x8: {  	[smem:$0x3FAE] =	sst s0  }
0x9: {  	[smem:$0x3FAF] =	sst s1  }
0xa: {  	[smem:$0x3FB0] =	sst s2  }
0xb: {  	[smem:$0x3FB1] =	sst s3  }
0xc: {  	[smem:$0x3FB2] =	sst s4  }
0xd: {  	[smem:$0x3FB3] =	sst s5  }
0xe: {  	[smem:$0x3FB4] =	sst s6  }
0xf: {  	[smem:$0x3FB5] =	sst s7  }
0x10: {  	[smem:$0x3FB6] =	sst s8  }
0x11: {  	[smem:$0x3FB7] =	sst s9;
	s0 =	simm.s32 @!p0 $0x0  }
0x12: {  	s1 =	sld [smem:$0x3F9D];
	s0 =	simm.s32 @p0 $0x1  }
0x13: {  	[smem:$0x3FB8] =	sst s0;
	s0 =	simm.s32 @!p1 $0x0  }
0x14: {  	s2 =	sld [smem:$0x3F9C];
	s0 =	simm.s32 @p1 $0x1  }
0x15: {  	[smem:$0x3FB9] =	sst s0;
	s0 =	simm.s32 @!p2 $0x0  }
0x16: {  	s3 =	sld [smem:$0x3FDB];
	s0 =	simm.s32 @p2 $0x1  }
0x17: {  	s4 =	simm.s32 $0x1BF5;
	[smem:$0x3FBB] =	sst s0  }
0x18: {  	s0 =	sld [smem:$0x3F9E];
	_ =	swait.ge [sflag:s4], $0x0  }
0x19: {  	s7 =	sld [smem:$0x3F9F]  }
0x1a: {  	s8 =	sadd.s32 $0xFFFFE003, lr  }
0x1b: {  	s9 =	sadd.s32 $0xFFFFFEF7, lr;
	s5 =	simm.s32 $0xFFFFFFFF;
	p2 =	slt.u32 s8, $0xFFFFF086  }
0x1c: {  	p1 =	slt.u32 s9, $0xF7A;
	s5 =	simm.s32 @!p2 $0x0  }
0x1d: {  	s5 =	simm.s32 @p1 $0x1;
	p0 =	seq.s32 s7, s2  }
0x1e: {  	s7 =	smul.u32 @!p0 $0xF7A, s2;
	p2 =	seq.s32 @!p0 s5, $0x0  }
0x1f: {  	s9 =	smul.u32 $0xF7A, s1;
	s8 =	simm.s32 @!p0 $0x1BF5;
	p2 =	por !p2, p0  }
0x20: {  	[sflag:s8] =	ssyncset.s32 @!p0 $0xFFFFF086;
	s6 =	sadd.s32 @!p0 s3, s7;
	s7 =	simm.s32 @!p0 $0x108  }
0x21: {  	s3 =	sadd.s32 s3, s9;
	s6 =	sadd.s32 @!p0 $0x88, s6;
	s7 =	simm.s32 @p2 $0x1082  }
0x22: {  	[simem:s7], [sflag:s8] =	dma.local @!p0 [hbm:s6], $0xF7A  }
0x23: {  	s9 =	sor.u32 $0xD0000000, s2;
	s6 =	simm.s32 $0x108;
	_ =	swait.ge @!p0 [sflag:s8], $0x0  }
0x24: {  	s3 =	sadd.s32 $0x88, s3;
	s6 =	simm.s32 @!p1 $0x1082;
	[sflag:s4] =	ssyncset.s32 $0xFFFFF086  }
0x25: {  	[simem:s6], [sflag:s4] =	dma.local [hbm:s3], $0xF7A  }
0x26: {  	[smem:$0x3F9F] =	sst s1;
	(tag) =	ssettag s2;
	_ =	strace s9  }
0x27: {  	s1 =	sld [smem:$0x3FAF]  }
0x28: {  	s2 =	sld [smem:$0x3FB0]  }
0x29: {  	s4 =	sld [smem:$0x3FB2]  }
0x2a: {  	p0 =	seq.s32 s5, $0x0;
	s5 =	sld [smem:$0x3FB3]  }
0x2b: {  	s6 =	sld [smem:$0x3FB4]  }
0x2c: {  	s7 =	sld [smem:$0x3FB5]  }
0x2d: {  	s3 =	simm.s32 $0x108;
	s8 =	sld [smem:$0x3FB6]  }
0x2e: {  	s3 =	simm.s32 @!p0 $0x1082;
	s9 =	sld [smem:$0x3FB7]  }
0x2f: {  	lr =	sadd.s32 s0, s3;
	s0 =	sld [smem:$0x3FAE]  }
0x30: {  	s3 =	sld [smem:$0x3FB1]  }
0x31: {  	[smem:$0x3FBA] =	sst s10  }
0x32: {  	s10 =	sld [smem:$0x3FB8];
	_ =	sdelay $0x3  }
0x33: {  	p0 =	seq.s32 s10, $0x1;
	s10 =	sld [smem:$0x3FBA];
	_ =	sdelay $0x3  }
0x34: {  	[smem:$0x3FBA] =	sst s10  }
0x35: {  	s10 =	sld [smem:$0x3FB9];
	_ =	sdelay $0x3  }
0x36: {  	p1 =	seq.s32 s10, $0x1;
	s10 =	sld [smem:$0x3FBA];
	_ =	sdelay $0x3  }
0x37: {  	[smem:$0x3FBA] =	sst s10  }
0x38: {  	s10 =	sld [smem:$0x3FBB]  }
0x39: {  	_ = 	snop;
	(pc) =	sbr.ind lr, $3  }
0x3a: {  	_ = 	snop  }
0x3b: {  	_ = 	snop  }
0x3c: {  	p2 =	seq.s32 s10, $0x1;
	s10 =	sld [smem:$0x3FBA]  }
0x3d: {  	_ =	shalt  }
0x3e: {  	_ =	shalt  }
0x3f: {  	_ =	shalt  }
0x40: {  	_ =	shalt  }
0x41: {  	_ =	shalt  }
0x42: {  	_ =	shalt  }
0x43: {  	_ =	shalt  }
0x44: {  	_ =	shalt  }
0x45: {  	_ =	shalt  }
0x46: {  	_ =	shalt  }
0x47: {  	_ =	shalt  }
0x48: {  	_ =	shalt  }
0x49: {  	_ =	shalt  }
0x4a: {  	_ =	shalt  }
0x4b: {  	_ =	shalt  }
0x4c: {  	_ =	shalt  }
0x4d: {  	_ =	shalt  }
0x4e: {  	_ =	shalt  }
0x4f: {  	_ =	shalt  }
0x50: {  	_ =	shalt  }
0x51: {  	_ =	shalt  }
0x52: {  	_ =	shalt  }
0x53: {  	_ =	shalt  }
0x54: {  	_ =	shalt  }
0x55: {  	_ =	shalt  }
0x56: {  	_ =	shalt  }
0x57: {  	_ =	shalt  }
0x58: {  	_ =	shalt  }
0x59: {  	_ =	shalt  }
0x5a: {  	_ =	shalt  }
0x5b: {  	_ =	shalt  }
0x5c: {  	_ =	shalt  }
0x5d: {  	_ =	shalt  }
0x5e: {  	_ =	shalt  }
0x5f: {  	_ =	shalt  }
0x60: {  	_ =	shalt  }
0x61: {  	_ =	shalt  }
0x62: {  	_ =	shalt  }
0x63: {  	_ =	shalt  }
0x64: {  	_ =	shalt  }
0x65: {  	_ =	shalt  }
0x66: {  	_ =	shalt  }
0x67: {  	_ =	shalt  }
0x68: {  	_ =	shalt  }
0x69: {  	_ =	shalt  }
0x6a: {  	_ =	shalt  }
0x6b: {  	_ =	shalt  }
0x6c: {  	_ =	shalt  }
0x6d: {  	_ =	shalt  }
0x6e: {  	_ =	shalt  }
0x6f: {  	_ =	shalt  }
0x70: {  	_ =	shalt  }
0x71: {  	_ =	shalt  }
0x72: {  	_ =	shalt  }
0x73: {  	_ =	shalt  }
0x74: {  	_ =	shalt  }
0x75: {  	_ =	shalt  }
0x76: {  	_ =	shalt  }
0x77: {  	_ =	shalt  }
0x78: {  	_ =	shalt  }
0x79: {  	_ =	shalt  }
0x7a: {  	_ =	shalt  }
0x7b: {  	_ =	shalt  }
0x7c: {  	_ =	shalt  }
0x7d: {  	_ =	shalt  }
0x7e: {  	_ =	shalt  }
0x7f: {  	_ =	shalt  }
0x80: {  	_ =	shalt  }
0x81: {  	_ =	shalt  }
0x82: {  	_ =	shalt  }
0x83: {  	_ =	shalt  }
0x84: {  	_ =	shalt  }
0x85: {  	_ =	shalt  }
0x86: {  	_ =	shalt  }
0x87: {  	_ =	shalt  }
.Lfunc_end0:
.L_simem_size_0:
called_computation_lowered:
.L_overlay_start_0:
0x88: {  	s2 =	sld [smem:$0x3FD9]  }
0x89: {  	s3 =	sld [smem:$0x3FFE];
	_ =	sdelay $0x1  }
0x8a: {  	s1 =	srdreg.scid  }
0x8b: {  	s0 =	sand.u32 $0x1, s1  }
0x8c: {  	s17 =	sshll.u32 s0, $0xA;
	s2 =	sadd.s32 s3, s2  }
0x8d: {  	s2 =	sadd.s32 s2, s17  }
0x8e: {  	[smem:$0x3FC6] =	sst s2  }
0x8f: {  	_ = 	snop  }
0x90: {  	s2 =	sld [smem:$0x3FC8]  }
0x91: {  	s18 =	sld [smem:$0x3FD0];
	(tm) =	ssettm $0x1  }
0x92: {  	s4 =	sld [smem:$0x3FFB];
	_ =	sdelay $0x3  }
0x93: {  	_ =	strace s4  }
0x94: {  	s4 =	sld [smem:$0x3FFC];
	_ =	sdelay $0x3  }
0x95: {  	_ =	strace s4  }
0x96: {  	s4 =	sld [smem:$0x3FFD];
	_ =	sdelay $0x3  }
0x97: {  	_ =	strace s4  }
0x98: {  	_ =	strace $0x8FFFFFFF  }
0x99: {  	s19 =	sld [smem:$0x3FDB];
	_ =	sdelay $0x1  }
0x9a: {  	s5 =	simm.s32 $_scs_section_size  }
0x9b: {  	s6 =	simm.s32 $_size__tile_overlayer_lowered;
	s7 =	simm.s32 $_tile_overlayer_lowered  }
0x9c: {  	s22 =	simm.s32 $0x1BFF;
	s21 =	sshll.u32 s7, $0x1;
	s4 =	sadd.s32 s5, s19  }
0x9d: {  	s8 =	simm.s32 $0x0;
	s20 =	sshll.u32 s6, $0x1;
	s6 =	sadd.s32 s21, s4  }
0x9e: {  	[timem:s8], [sflag:s22] =	dma.local [hbm:s6], s20  }
0x9f: {  	_ =	swait.ge [sflag:s22], s20  }
0xa0: {  	s5 =	ssub.s32 $0x0, s20;
	[sflag:s22] =	ssyncset.done $0x0  }
0xa1: {  	[sflag:s22] =	ssyncadd.s32 s5;
	_ =	sdelay $0x1  }
0xa2: {  	s23 =	simm.s32 $0x1B8B  }
0xa3: {  	_ =	swait.ge [sflag:s23], $0x1  }
0xa4: {  	[sflag:s23] =	ssyncset.done $0x0  }
0xa5: {  	s25 =	simm.s32 $0x1B8E;
	s24 =	sld [smem:$0x3FFE];
	[sflag:s23] =	ssyncadd.s32 $0xFFFFFFFF  }
0xa6: {  	s26 =	simm.s32 $execute0_lowered;
	[smem:$0x3FD2] =	sst s25  }
0xa7: {  	s6 =	sshll.u32 s26, $0x1;
	_ =	strace $0x80000046;
	[dreg:$0x1] =	wrdreg $0xFFFFFFFF  }
0xa8: {  	s28 =	simm.s32 $_size_execute0_lowered;
	s4 =	sadd.s32 s4, s6;
	[dreg:$0x0] =	wrdreg $0x0  }
0xa9: {  	s6 =	sshll.u32 s28, $0x1;
	[dreg:$0x2] =	wrdreg s4  }
0xaa: {  	[dreg:$0x3] =	wrdreg s6  }
0xab: {  	[dreg:$0x4] =	wrdreg $0xC0  }
0xac: {  	_ =	task [dreg:s8], $0x5FFFF  }
0xad: {  	[dreg:$0x1] =	wrdreg $0xFFFFFFFF  }
0xae: {  	[dreg:$0x0] =	wrdreg $0x60  }
0xaf: {  	[dreg:$0x2] =	wrdreg s24  }
0xb0: {  	[dreg:$0x3] =	wrdreg s2  }
0xb1: {  	[dreg:$0x4] =	wrdreg s18  }
0xb2: {  	[dreg:$0x5] =	wrdreg $0x0  }
0xb3: {  	[dreg:$0x6] =	wrdreg $0x9  }
0xb4: {  	_ =	task.clear_ibuf [dreg:s8], $0x7FFFF;
	_ =	strace $0x90000046  }
0xb5: {  	s29 =	simm.s32 $0x9;
	_ =	strace $0x80000048  }
0xb6: {  	_ =	swait.ge [sflag:s29], $0x1  }
0xb7: {  	[sflag:s29] =	ssyncadd.s32 $0xFFFFFFFF  }
0xb8: {  	_ =	strace $0x90000048  }
0xb9: {  	_ =	sfence  }
0xba: {  	s30 =	sld [smem:$0x0];
	_ =	sdelay $0x2  }
0xbb: {  	s31 =	sshll.u32 s1, $0xD;
	s1 =	sshrl.u32 s1, $0x2  }
0xbc: {  	s3 =	sand.u32 $0x4000, s31;
	s1 =	sadd.s32 s1, s30  }
0xbd: {  	s0 =	sor.u32 s3, s0;
	s1 =	sshll.u32 s1, $0x11  }
0xbe: {  	s0 =	sor.u32 s1, s0  }
0xbf: {  	s0 =	sadd.s32 $0x8F2B, s0  }
0xc0: {  	[sflag:s0] =	ssyncadd.remote.s32 $0x1  }
0xc1: {  	_ =	sfence.sel $0xFFFF  }
0xc2: {  	[dreg:$0x0] =	wrdreg $0xFFFFFFFF;
	(pc) =	sbr.abs _section_cstart, $3  }
0xc3: {  	[dreg:$0x1] =	wrdreg $0xFFFFFFFF  }
0xc4: {  	_ =	task.clear_ibuf [dreg:s8], $0x2FFFF;
	_ =	strace $0x9FFFFFFF  }
0xc5: {  	(tm) =	ssettm $0x7FFFFFFF  }
tec
execute0_lowered:
.L_overlay_start_1:
0x0: {  	(tag) =	ssettag $0x1  }
0x1: {  	s0 =	rddreg [dreg:$0x0]  }
0x2: {  	s1 =	rddreg [dreg:$0x2]  }
0x3: {  	s3 =	srdreg.scid;
	s7 =	stileid.u32  }
0x4: {  	s2 =	rddreg [dreg:$0x3];
	s28 =	simm.s32 $0x3;
	s29 =	simm.s32 $0x4  }
0x5: {  	s30 =	simm.s32 $0x8;
	s31 =	simm.s32 $0x0;
	s5 =	sand.u32 $0x1, s3  }
0x6: {  	s4 =	sshll.u32 s7, $0x1;
	s3 =	simm.s32 $0x0;
	s9 =	smul.u32 $0x32000, s7  }
0x7: {  	s8 =	sadd.s32 $0x400, s0;
	s18 =	smul.u32 $0x320000, s7;
	p0 =	sne.s32 s7, $0x0  }
0x8: {  	s4 =	sor.u32 s5, s4;
	[smem:$0x7FF] =	sst s3;
	s16 =	smul.u32 $0x19000, s5  }
0x9: {  	s15 =	ssub.s32 $0x2, s5;
	s5 =	smul.u32 $0x190000, s5;
	s14 =	sshrl.u32 @!p0 s2, $0x3  }
0xa: {  	s4 =	smul.u32 $0x19000, s4;
	_ =	strace $0x80000047;
	s6 =	sshrl.u32 s15, $0x1  }
0xb: {  	s19 =	sadd.s32 s18, s1;
	s18 =	simm.s32 $0x410;
	s0 =	ssub.s32 s15, s6  }
0xc: {  	s11 =	sadd.s32 s16, s9;
	s9 =	sadd.s32 s5, s19;
	s16 =	simm.s32 $0x9  }
0xd: {  	s19 =	simm.s32 $0x110;
	s4 =	sshrl.u32 s4, $0x3;
	s0 =	smax.u32 s0, $0x1  }
0xe: {  	s20 =	sor.u32 $0x578, s11;
	s22 =	sor.u32 $0x4B0, s11;
	s24 =	sor.u32 $0x3E8, s11  }
0xf: {  	s26 =	sor.u32 $0x320, s11;
	s4 =	sadd.s32 s8, s4;
	[dreg:$0x9] =	wrdreg s0  }
0x10: {  	s21 =	sshrl.u32 s20, $0x3;
	s23 =	sshrl.u32 s22, $0x3;
	s25 =	sshrl.u32 s24, $0x3  }
0x11: {  	s1 =	sshrl.u32 s26, $0x3;
	s20 =	simm.s32 $0x6810;
	s22 =	simm.s32 $0xCC10  }
0x12: {  	s24 =	simm.s32 $0x13010;
	s10 =	sadd.s32 $0x19, s4;
	[dreg:$0x5] =	wrdreg s4  }
0x13: {  	s26 =	simm.s32 $0x2;
	s17 =	sadd.s32 $0x32, s4;
	[dreg:$0x6] =	wrdreg s10  }
.Ltmp0:
0x14: {  	s4 =	sadd.s32 $0x4B, s4;
	[dreg:$0x7] =	wrdreg s17;
	(pc) =	sbr.rel .LBB2_1-.Ltmp0, $4  }
0x15: {  	s0 =	sadd.s32 s21, s8;
	s1 =	sadd.s32 s1, s8;
	[dreg:$0x8] =	wrdreg s4  }
0x16: {  	s21 =	simm.s32 $0x210;
	[dreg:$0xa] =	wrdreg s0;
	s0 =	sadd.s32 s23, s8  }
0x17: {  	s17 =	simm.s32 $0xC8;
	[dreg:$0xb] =	wrdreg s0;
	s0 =	sadd.s32 s25, s8  }
0x18: {  	s23 =	simm.s32 $0x310;
	s25 =	simm.s32 $0x1;
	[dreg:$0xc] =	wrdreg s0  }
.LBB2_4:
0x19: {  	_ =	swait.ge [sflag:s30], $0x6400  }
0x1a: {  	s31 =	sadd.s32 $0x1, s31;
	s0 =	rddreg [dreg:$0x9]  }
0x1b: {  	p1 =	sne.s32 s31, s0  }
.Ltmp1:
0x1c: {  	_ = 	snop;
	(pc) =	sbr.rel @!p1 .LBB2_5-.Ltmp1, $3  }
0x1d: {  	_ =	sdelay $0x1  }
0x1e: {  	[sflag:s30] =	ssyncset.done $0x0  }
0x1f: {  	[sflag:s30] =	ssyncadd.s32 $0xFFFF9C00  }
.LBB2_1:
0x20: {  	s7 =	simm.s32 @!p0 $0x1C09;
	s0 =	rddreg [dreg:$0x1]  }
0x21: {  	[spmem:s14], [sflag:s7] =	dma.local @!p0 [hbm:s0], $0x20  }
0x22: {  	s7 =	simm.s32 @!p0 $0x9  }
0x23: {  	_ =	swait.ge @!p0 [sflag:s7], $0x20  }
0x24: {  	[sflag:s7] =	ssyncset.done @!p0 $0x0  }
0x25: {  	[sflag:s7] =	ssyncadd.s32 @!p0 $0xFFFFFFE0  }
0x26: {  	[bflag:$0x0] =	sbarrier.arrive $0xFFFF  }
0x27: {  	s4 =	simm.s32 $0x10;
	s11 =	rddreg [dreg:$0x5]  }
0x28: {  	[tilespmem:s4], [sflag:$0x9] =	stream.linear.gather [hbm4b:s11+s3], $0xC8, $0x38;
	[tilespmem:$0x19410] =	vst v63  }
0x29: {  	_ =	swait.ge [sflag:s16], $0xC8  }
0x2a: {  	[sflag:s16] =	ssyncset.done $0x0  }
0x2b: {  	[sflag:s16] =	ssyncadd.s32 $0xFFFFFF38  }
0x2c: {  	[tilespmem:s18], [sflag:$0x1] =	stream.indirect.gather [spmem:s2], $0x80, s4, s17, $0xb8;
	[tilespmem:$0x19410] =	vst v63  }
0x2d: {  	s12 =	rddreg [dreg:$0x6]  }
0x2e: {  	[tilespmem:s19], [sflag:$0x9] =	stream.linear.gather [hbm4b:s12+s3], $0xC8, $0x38;
	[tilespmem:$0x19410] =	vst v63  }
0x2f: {  	_ =	swait.ge [sflag:s16], $0xC8  }
0x30: {  	[sflag:s16] =	ssyncset.done $0x0  }
0x31: {  	[sflag:s16] =	ssyncadd.s32 $0xFFFFFF38  }
0x32: {  	[tilespmem:s20], [sflag:$0x2] =	stream.indirect.gather [spmem:s2], $0x80, s19, s17, $0xb8;
	[tilespmem:$0x19410] =	vst v63  }
0x33: {  	s13 =	rddreg [dreg:$0x7]  }
0x34: {  	[tilespmem:s21], [sflag:$0x9] =	stream.linear.gather [hbm4b:s13+s3], $0xC8, $0x38;
	[tilespmem:$0x19410] =	vst v63  }
0x35: {  	_ =	swait.ge [sflag:s16], $0xC8  }
0x36: {  	[sflag:s16] =	ssyncset.done $0x0  }
0x37: {  	[sflag:s16] =	ssyncadd.s32 $0xFFFFFF38  }
0x38: {  	[tilespmem:s22], [sflag:$0x3] =	stream.indirect.gather [spmem:s2], $0x80, s21, s17, $0xb8;
	[tilespmem:$0x19410] =	vst v63  }
0x39: {  	s15 =	rddreg [dreg:$0x8]  }
0x3a: {  	[tilespmem:s23], [sflag:$0x9] =	stream.linear.gather [hbm4b:s15+s3], $0xC8, $0x38;
	[tilespmem:$0x19410] =	vst v63  }
0x3b: {  	_ =	swait.ge [sflag:s16], $0xC8  }
0x3c: {  	s12 =	rddreg [dreg:$0xc]  }
0x3d: {  	s7 =	simm.s32 $0x0;
	[sflag:s16] =	ssyncset.done $0x0;
	s11 =	rddreg [dreg:$0xb]  }
0x3e: {  	s13 =	smov.u32 s1;
	s10 =	rddreg [dreg:$0xa];
	[sflag:s16] =	ssyncadd.s32 $0xFFFFFF38  }
0x3f: {  	[tilespmem:s24], [sflag:$0x4] =	stream.indirect.gather [spmem:s2], $0x80, s23, s17, $0xb8;
	[tilespmem:$0x19410] =	vst v63  }
.LBB2_2:
0x40: {  	_ =	swait.ge [sflag:s25], $0x6400  }
0x41: {  	p1 =	seq.s32 s7, $0x18CE00;
	[sflag:s25] =	ssyncset.done $0x0  }
0x42: {  	s8 =	sadd.s32 s7, s9;
	s6 =	simm.s32 @p1 $0x5;
	[sflag:s25] =	ssyncadd.s32 $0xFFFF9C00  }
0x43: {  	[hbm4b:s8+s3] =	stream.linear.scatter [tilespmem:s18], [sflag:$0x5], $0x6400, $0x38;
	[tilespmem:$0x19410] =	vst v63  }
0x44: {  	_ =	swait.ge @p1 [sflag:s6], $0x6400  }
0x45: {  	s4 =	simm.s32 @!p1 $0x10;
	[sflag:s6] =	ssyncset.done @p1 $0x0  }
0x46: {  	s5 =	simm.s32 @!p1 $0x9;
	[sflag:s6] =	ssyncadd.s32 @p1 $0xFFFF9C00;
	s6 =	simm.s32 @!p1 $0x0  }
0x47: {  	[tilespmem:s4], [sflag:$0x9] =	stream.linear.gather @!p1 [hbm4b:s13+s6], $0xC8, $0x38;
	[tilespmem:$0x19410] =	vst v63  }
0x48: {  	_ =	swait.ge @!p1 [sflag:s5], $0xC8  }
0x49: {  	[sflag:s5] =	ssyncset.done @!p1 $0x0  }
0x4a: {  	s0 =	simm.s32 @!p1 $0x5;
	[sflag:s5] =	ssyncadd.s32 @!p1 $0xFFFFFF38  }
0x4b: {  	_ =	swait.ge @!p1 [sflag:s0], $0x6400  }
0x4c: {  	[sflag:s0] =	ssyncset.done @!p1 $0x0  }
0x4d: {  	s15 =	simm.s32 @!p1 $0x410;
	[sflag:s0] =	ssyncadd.s32 @!p1 $0xFFFF9C00;
	s0 =	simm.s32 @!p1 $0xC8  }
0x4e: {  	[tilespmem:s15], [sflag:$0x1] =	stream.indirect.gather @!p1 [spmem:s2], $0x80, s4, s0, $0xb8;
	[tilespmem:$0x19410] =	vst v63  }
0x4f: {  	_ =	swait.ge [sflag:s26], $0x6400  }
0x50: {  	[sflag:s26] =	ssyncset.done $0x0  }
0x51: {  	s15 =	sadd.s32 $0xC80, s8;
	s4 =	simm.s32 @p1 $0x6;
	[sflag:s26] =	ssyncadd.s32 $0xFFFF9C00  }
0x52: {  	[hbm4b:s15+s3] =	stream.linear.scatter [tilespmem:s20], [sflag:$0x6], $0x6400, $0x38;
	[tilespmem:$0x19410] =	vst v63  }
0x53: {  	_ =	swait.ge @p1 [sflag:s4], $0x6400  }
0x54: {  	[sflag:s4] =	ssyncset.done @p1 $0x0  }
0x55: {  	[sflag:s4] =	ssyncadd.s32 @p1 $0xFFFF9C00;
	s4 =	simm.s32 @!p1 $0x110  }
0x56: {  	[tilespmem:s4], [sflag:$0x9] =	stream.linear.gather @!p1 [hbm4b:s12+s6], $0xC8, $0x38;
	[tilespmem:$0x19410] =	vst v63  }
0x57: {  	_ =	swait.ge @!p1 [sflag:s5], $0xC8  }
0x58: {  	[sflag:s5] =	ssyncset.done @!p1 $0x0  }
0x59: {  	s15 =	simm.s32 @!p1 $0x6;
	[sflag:s5] =	ssyncadd.s32 @!p1 $0xFFFFFF38  }
0x5a: {  	_ =	swait.ge @!p1 [sflag:s15], $0x6400  }
0x5b: {  	[sflag:s15] =	ssyncset.done @!p1 $0x0  }
0x5c: {  	[sflag:s15] =	ssyncadd.s32 @!p1 $0xFFFF9C00;
	s15 =	simm.s32 @!p1 $0x6810  }
0x5d: {  	[tilespmem:s15], [sflag:$0x2] =	stream.indirect.gather @!p1 [spmem:s2], $0x80, s4, s0, $0xb8;
	[tilespmem:$0x19410] =	vst v63  }
0x5e: {  	_ =	swait.ge [sflag:s28], $0x6400  }
0x5f: {  	[sflag:s28] =	ssyncset.done $0x0  }
0x60: {  	s15 =	sadd.s32 $0x1900, s8;
	s4 =	simm.s32 @p1 $0x7;
	[sflag:s28] =	ssyncadd.s32 $0xFFFF9C00  }
0x61: {  	[hbm4b:s15+s3] =	stream.linear.scatter [tilespmem:s22], [sflag:$0x7], $0x6400, $0x38;
	[tilespmem:$0x19410] =	vst v63  }
0x62: {  	_ =	swait.ge @p1 [sflag:s4], $0x6400  }
0x63: {  	[sflag:s4] =	ssyncset.done @p1 $0x0  }
0x64: {  	[sflag:s4] =	ssyncadd.s32 @p1 $0xFFFF9C00;
	s4 =	simm.s32 @!p1 $0x210  }
0x65: {  	[tilespmem:s4], [sflag:$0x9] =	stream.linear.gather @!p1 [hbm4b:s11+s6], $0xC8, $0x38;
	[tilespmem:$0x19410] =	vst v63  }
0x66: {  	_ =	swait.ge @!p1 [sflag:s5], $0xC8  }
0x67: {  	[sflag:s5] =	ssyncset.done @!p1 $0x0  }
0x68: {  	[sflag:s5] =	ssyncadd.s32 @!p1 $0xFFFFFF38;
	s5 =	simm.s32 @!p1 $0x7  }
0x69: {  	_ =	swait.ge @!p1 [sflag:s5], $0x6400  }
0x6a: {  	[sflag:s5] =	ssyncset.done @!p1 $0x0  }
0x6b: {  	[sflag:s5] =	ssyncadd.s32 @!p1 $0xFFFF9C00;
	s5 =	simm.s32 @!p1 $0xCC10  }
0x6c: {  	[tilespmem:s5], [sflag:$0x3] =	stream.indirect.gather @!p1 [spmem:s2], $0x80, s4, s0, $0xb8;
	[tilespmem:$0x19410] =	vst v63  }
.Ltmp2:
0x6d: {  	_ = 	snop;
	(pc) =	sbr.rel @p1 .LBB2_4-.Ltmp2, $4  }
0x6e: {  	_ =	swait.ge [sflag:s29], $0x6400  }
0x6f: {  	[sflag:s29] =	ssyncset.done $0x0  }
0x70: {  	s15 =	sadd.s32 $0x2580, s8;
	[sflag:s29] =	ssyncadd.s32 $0xFFFF9C00  }
0x71: {  	[hbm4b:s15+s3] =	stream.linear.scatter [tilespmem:s24], [sflag:$0x8], $0x6400, $0x38;
	[tilespmem:$0x19410] =	vst v63  }
0x72: {  	[tilespmem:s23], [sflag:$0x9] =	stream.linear.gather [hbm4b:s10+s3], $0xC8, $0x38;
	[tilespmem:$0x19410] =	vst v63  }
0x73: {  	_ =	swait.ge [sflag:s16], $0xC8  }
0x74: {  	[sflag:s16] =	ssyncset.done $0x0  }
.Ltmp3:
0x75: {  	[sflag:s16] =	ssyncadd.s32 $0xFFFFFF38;
	(pc) =	sbr.rel .LBB2_2-.Ltmp3, $4  }
0x76: {  	s7 =	sadd.s32 $0x3200, s7;
	_ =	swait.ge [sflag:s30], $0x6400  }
0x77: {  	s10 =	sadd.s32 $0x64, s10;
	s11 =	sadd.s32 $0x64, s11;
	[sflag:s30] =	ssyncset.done $0x0  }
0x78: {  	s12 =	sadd.s32 $0x64, s12;
	s13 =	sadd.s32 $0x64, s13;
	[sflag:s30] =	ssyncadd.s32 $0xFFFF9C00  }
0x79: {  	[tilespmem:s24], [sflag:$0x4] =	stream.indirect.gather [spmem:s2], $0x80, s23, s17, $0xb8;
	[tilespmem:$0x19410] =	vst v63  }
.LBB2_5:
0x7a: {  	_ =	sfence.sel $0x180000  }
0x7b: {  	[bflag:$0x0] =	sbarrier.arrive $0xFFFF  }
0x7c: {  	_ =	strace $0x90000047  }
0x7d: {  	[bflag:$0x2] =	sbarrier.arrive $0xFFFF  }
0x7e: {  	s0 =	rddreg [dreg:$0x4]  }
0x7f: {  	s0 =	sadd.s32 @!p0 $0x100000, s0  }
0x80: {  	[sflag:s0] =	ssyncadd.tile.s32 @!p0 $0x1;
	_ =	shalt  }
.Lfunc_end2:
_tile_overlayer_lowered:
.L_overlay_start_2:
0x81: {  	(tag) =	ssettag $0x2  }
0x82: {  	s0 =	rddreg [dreg:$0x0];
	s2 =	stileid.u32  }
0x83: {  	s1 =	rddreg [dreg:$0x1];
	p0 =	sne.s32 s2, $0x0  }
0x84: {  	s3 =	rddreg [dreg:$0x2];
	[bflag:$0x3] =	sbarrier.arrive $0xFFFF;
	s2 =	simm.s32 @!p0 $0x1C09  }
0x85: {  	[timem:s3], [sflag:s2] =	dma.local @!p0 [hbm:s0], s1  }
0x86: {  	s0 =	simm.s32 @!p0 $0x9  }
0x87: {  	_ =	swait.ge @!p0 [sflag:s0], s1  }
0x88: {  	s1 =	ssub.s32 @!p0 $0x0, s1;
	[sflag:s0] =	ssyncset.done @!p0 $0x0  }
0x89: {  	[sflag:s0] =	ssyncadd.s32 @!p0 s1  }
0x8a: {  	[bflag:$0x3] =	sbarrier.arrive $0xFFFF  }
0x8b: {  	_ =	shalt  }

</sc_bundles>
